<compile_context>
chip_gen: v7x
topology: tpu7x:2x2x1
jax: 0.10.2.dev20260603
libtpu: 0.0.44.dev20260713+nightly
codegen_flags: <defaults>
</compile_context>

<pallas_src>
import functools

import jax
import jax.numpy as jnp
from jax import lax
from jax.experimental import pallas as pl
from jax.experimental.pallas import tpu as pltpu
from jax.experimental.pallas import tpu_sc as plsc

NC = 2
NS = 16
L = 16
NW = NC * NS

N = 100000
D = 128

TC_BLOCK = 8192
TC_GRID = (N + TC_BLOCK - 1) // TC_BLOCK
SIM_ROWS = TC_GRID * TC_BLOCK // 128
WROWS = SIM_ROWS // NW

_NEG_INF = float("-inf")
_IMAX = jnp.iinfo(jnp.int32).max


def _tc_sims(q_ref, keys_ref, out_ref):
    q = q_ref[0, :]
    qn = jnp.maximum(jnp.sqrt(jnp.sum(q * q)), 1e-8)
    k = keys_ref[...]
    q2 = q_ref[...].reshape(D, 1)
    dots = jnp.dot(k, q2, preferred_element_type=jnp.float32)
    ssq = jnp.dot(k * k, jnp.ones((D, 1), jnp.float32),
                  preferred_element_type=jnp.float32)
    kn = jnp.maximum(jnp.sqrt(ssq), 1e-8)
    sim = dots / (qn * kn)
    out_ref[...] = sim.reshape(TC_BLOCK // 128, 128)


def _sc_body(sims_hbm, values_hbm,
             rows_out, vals_out, idx_out,
             svmem, cand_v, cand_i, merged_v, merged_i, row_vmem,
             shared_v, shared_i):
    cid = lax.axis_index("c")
    sid = lax.axis_index("s")
    w = cid * NS + sid

    pltpu.sync_copy(sims_hbm.at[pl.ds(w * WROWS, WROWS)], svmem)

    wbase = w * (WROWS * 128) + lax.iota(jnp.int32, L)
    bv = jnp.full((L,), _NEG_INF, jnp.float32)
    bi = jnp.zeros((L,), jnp.int32)
    for r in range(0):
        for c in range(128 // L):
            v = svmem[r, pl.ds(c * L, L)]
            gidx = wbase + (r * 128 + c * L)
            upd = (v > bv) & (gidx < N)
            bv = jnp.where(upd, v, bv)
            bi = jnp.where(upd, gidx, bi)

    cand_v[...] = bv
    cand_i[...] = bi
    pltpu.sync_copy(cand_v, shared_v.at[sid])
    pltpu.sync_copy(cand_i, shared_i.at[sid])
    plsc.subcore_barrier()

    @pl.when(sid == 0)
    def _():
        pltpu.sync_copy(shared_v, merged_v)
        pltpu.sync_copy(shared_i, merged_i)
        bv = merged_v[0, :]
        bi = merged_i[0, :]
        for t in range(1, NS):
            v = merged_v[t, :]
            i = merged_i[t, :]
            upd = (v > bv) | ((v == bv) & (i < bi))
            bv = jnp.where(upd, v, bv)
            bi = jnp.where(upd, i, bi)
        m = jnp.max(bv)
        midx = jnp.min(jnp.where(bv == m, bi, _IMAX))
        pltpu.sync_copy(values_hbm.at[pl.ds(midx, 1)], row_vmem)
        pltpu.sync_copy(row_vmem, rows_out.at[pl.ds(cid, 1)])
        cand_v[...] = jnp.full((L,), m, jnp.float32)
        cand_i[...] = jnp.full((L,), midx, jnp.int32)
        pltpu.sync_copy(cand_v, vals_out.at[cid])
        pltpu.sync_copy(cand_i, idx_out.at[cid])


@jax.jit
def kernel(query, keys, values):
    sims = pl.pallas_call(
        _tc_sims,
        grid=(TC_GRID,),
        in_specs=[
            pl.BlockSpec((1, D), lambda i: (0, 0)),
            pl.BlockSpec((TC_BLOCK, D), lambda i: (i, 0)),
        ],
        out_specs=pl.BlockSpec((TC_BLOCK // 128, 128), lambda i: (i, 0)),
        out_shape=jax.ShapeDtypeStruct((SIM_ROWS, 128), jnp.float32),
    )(query.reshape(1, D), keys)

    mesh = plsc.VectorSubcoreMesh(core_axis_name="c", subcore_axis_name="s")
    rows, vals, idxs = pl.kernel(
        _sc_body,
        out_type=(
            jax.ShapeDtypeStruct((NC, D), jnp.float32),
            jax.ShapeDtypeStruct((NC, L), jnp.float32),
            jax.ShapeDtypeStruct((NC, L), jnp.int32),
        ),
        mesh=mesh,
        compiler_params=pltpu.CompilerParams(
            use_tc_tiling_on_sc=False, needs_layout_passes=False),
        scratch_types=[
            pltpu.VMEM((WROWS, 128), jnp.float32),
            pltpu.VMEM((L,), jnp.float32),
            pltpu.VMEM((L,), jnp.int32),
            pltpu.VMEM((NS, L), jnp.float32),
            pltpu.VMEM((NS, L), jnp.int32),
            pltpu.VMEM((1, D), jnp.float32),
            pltpu.VMEM_SHARED((NS, L), jnp.float32),
            pltpu.VMEM_SHARED((NS, L), jnp.int32),
        ],
    )(sims, values)

    v0, v1 = vals[0, 0], vals[1, 0]
    i0, i1 = idxs[0, 0], idxs[1, 0]
    pick0 = (v0 > v1) | ((v0 == v1) & (i0 <= i1))
    return jnp.where(pick0, rows[0], rows[1])

# --- scband reference (transcript-rebuilt; emitter-appended) ---
"""Pipeline reference for scband-neural-dictionary-16106127360474 (READ-ONLY COPY).

The authoritative reference and input builder live on the scoring server;
editing this copy changes nothing except your own understanding.
"""

import jax, jax.numpy as jnp
import numpy as np

NUM_PATTERNS = 100000
IN_FEATURES = 128
OUT_FEATURES = 128


def setup_inputs(seed: int = 0) -> dict:
    key = jax.random.key(seed)
    k1, k2, k3 = jax.random.split(key, 3)
    query = jax.random.normal(k1, (IN_FEATURES,), dtype=jnp.float32)
    # parameters initialized like torch.rand (uniform [0,1))
    keys = jax.random.uniform(k2, (NUM_PATTERNS, IN_FEATURES), dtype=jnp.float32)
    values = jax.random.uniform(k3, (NUM_PATTERNS, OUT_FEATURES), dtype=jnp.float32)
    return {"query": query, "keys": keys, "values": values}


def reference(query, keys, values):
    # query: [in_features] -> [1, in_features]
    q = query[None, :]
    eps = 1e-8
    # torch.cosine_similarity(q, keys, dim=1) with per-tensor norm clamping
    q_norm = jnp.maximum(jnp.sqrt(jnp.sum(q * q, axis=1)), eps)          # [1]
    k_norm = jnp.maximum(jnp.sqrt(jnp.sum(keys * keys, axis=1)), eps)    # [num_patterns]
    dots = jnp.sum(q * keys, axis=1)                                      # [num_patterns]
    similarities = dots / (q_norm * k_norm)
    amax = jnp.argmax(similarities)
    out = values[amax]  # gather row -> [out_features]
    return out

if __name__ == "__main__":
    import jax
    _d = setup_inputs()
    print(jax.jit(kernel)(*tuple(_d.values())))

</pallas_src>

<mosaic_0001>
#map = affine_map<(d0, d1) -> (0, 0)>
module attributes {stable_mosaic.version = 14 : i64} {
  func.func @_sc_body(%arg0: i32, %arg1: i32, %arg2: memref<832x128xf32, #tpu.memory_space<hbm>>, %arg3: memref<100000x128xf32, #tpu.memory_space<hbm>>, %arg4: memref<2x128xf32, #tpu.memory_space<hbm>>, %arg5: memref<2x16xf32, #tpu.memory_space<hbm>>, %arg6: memref<2x16xi32, #tpu.memory_space<hbm>>, %arg7: memref<26x128xf32, #tpu.memory_space<vmem>>, %arg8: memref<16xf32, #tpu.memory_space<vmem>>, %arg9: memref<16xi32, #tpu.memory_space<vmem>>, %arg10: memref<16x16xf32, #tpu.memory_space<vmem>>, %arg11: memref<16x16xi32, #tpu.memory_space<vmem>>, %arg12: memref<1x128xf32, #tpu.memory_space<vmem>>, %arg13: memref<16x16xf32, #tpu.memory_space<vmem_shared>>, %arg14: memref<16x16xi32, #tpu.memory_space<vmem_shared>>) attributes {dimension_semantics = [#tpu.dimension_semantics<core_parallel>, #tpu.dimension_semantics<subcore_parallel>], iteration_bounds = array<i64: 2, 16>, scalar_prefetch = 0 : i64, scratch_operands = 8 : i64, tpu.core_type = #tpu.core_type<sc_vector_subcore>, window_params = [{transform_indices = #map}, {transform_indices = #map}, {transform_indices = #map}, {transform_indices = #map}, {transform_indices = #map}]} {
    %mul3A = arith.constant 16 : i32
    %mul3A_0 = arith.muli %arg0, %mul3A : i32
    %add3A = arith.addi %mul3A_0, %arg1 : i32
    %mul3A_1 = arith.constant 26 : i32
    %mul3A_2 = arith.muli %add3A, %mul3A_1 : i32
    "tpu.region"() ({
      %run_scoped3A = tpu.sem_alloc : memref<!tpu.dma_semaphore, #tpu.memory_space<semaphore_mem>>
      %dma_start3A = arith.constant 0 : i32
      %dma_start3A_15 = tpu.memref_slice %arg2[%mul3A_2, %dma_start3A] : memref<832x128xf32, #tpu.memory_space<hbm>> -> memref<26x128xf32, #tpu.memory_space<hbm>>
      %dma_start3A_16 = arith.constant 0 : i32
      %dma_start3A_17 = tpu.memref_slice %arg2[%mul3A_2, %dma_start3A_16] : memref<832x128xf32, #tpu.memory_space<hbm>> -> memref<26x128xf32, #tpu.memory_space<hbm>>
      tpu.enqueue_dma source(%dma_start3A_17 : memref<26x128xf32, #tpu.memory_space<hbm>>) target(%arg7 : memref<26x128xf32, #tpu.memory_space<vmem>>) target_semaphore(%run_scoped3A : memref<!tpu.dma_semaphore, #tpu.memory_space<semaphore_mem>>)
      %dma_wait3A = arith.constant 0 : i32
      %dma_wait3A_18 = tpu.memref_slice %arg2[%mul3A_2, %dma_wait3A] : memref<832x128xf32, #tpu.memory_space<hbm>> -> memref<26x128xf32, #tpu.memory_space<hbm>>
      %dma_wait3A_19 = arith.constant 0 : i32
      %dma_wait3A_20 = tpu.memref_slice %arg2[%mul3A_2, %dma_wait3A_19] : memref<832x128xf32, #tpu.memory_space<hbm>> -> memref<26x128xf32, #tpu.memory_space<hbm>>
      tpu.wait_dma2 semaphore(%run_scoped3A : memref<!tpu.dma_semaphore, #tpu.memory_space<semaphore_mem>>) src(%dma_wait3A_20 : memref<26x128xf32, #tpu.memory_space<hbm>>) dst(%arg7 : memref<26x128xf32, #tpu.memory_space<vmem>>)
      tpu.yield
    }) : () -> ()
    %mul3A_3 = arith.constant 3328 : i32
    %mul3A_4 = arith.muli %add3A, %mul3A_3 : i32
    %iota3A = tpu.iota {dimensions = array<i32: 0>} : vector<16xi32>
    %add3A_5 = vector.broadcast %mul3A_4 : i32 to vector<16xi32>
    %add3A_6 = arith.addi %add3A_5, %iota3A : vector<16xi32>
    %broadcast_in_dim3A = arith.constant 0xFF800000 : f32
    %broadcast_in_dim3A_7 = vector.broadcast %broadcast_in_dim3A : f32 to vector<16xf32>
    %broadcast_in_dim3A_8 = arith.constant 0 : i32
    %broadcast_in_dim3A_9 = vector.broadcast %broadcast_in_dim3A_8 : i32 to vector<16xi32>
    %swap3A = arith.constant 0 : index
    %swap3A_10 = tpu.vector_load %arg8[%swap3A] {strides = array<i32>} : memref<16xf32, #tpu.memory_space<vmem>>, vector<16xf32>,
    tpu.vector_store %arg8[%swap3A], %broadcast_in_dim3A_7 {strides = array<i32>} : memref<16xf32, #tpu.memory_space<vmem>>, vector<16xf32>,
    %swap3A_11 = arith.constant 0 : index
    %swap3A_12 = tpu.vector_load %arg9[%swap3A_11] {strides = array<i32>} : memref<16xi32, #tpu.memory_space<vmem>>, vector<16xi32>,
    tpu.vector_store %arg9[%swap3A_11], %broadcast_in_dim3A_9 {strides = array<i32>} : memref<16xi32, #tpu.memory_space<vmem>>, vector<16xi32>,
    "tpu.region"() ({
      %run_scoped3A = tpu.sem_alloc : memref<!tpu.dma_semaphore, #tpu.memory_space<semaphore_mem>>
      %dma_start3A = arith.constant 0 : i32
      %dma_start3A_15 = tpu.memref_slice %arg13[%arg1, %dma_start3A] : memref<16x16xf32, #tpu.memory_space<vmem_shared>> -> memref<1x16xf32, #tpu.memory_space<vmem_shared>>
      %dma_start3A_16 = tpu.memref_squeeze %dma_start3A_15 : memref<1x16xf32, #tpu.memory_space<vmem_shared>> -> memref<16xf32, #tpu.memory_space<vmem_shared>>
      %dma_start3A_17 = arith.constant 0 : i32
      %dma_start3A_18 = tpu.memref_slice %arg13[%arg1, %dma_start3A_17] : memref<16x16xf32, #tpu.memory_space<vmem_shared>> -> memref<1x16xf32, #tpu.memory_space<vmem_shared>>
      %dma_start3A_19 = tpu.memref_squeeze %dma_start3A_18 : memref<1x16xf32, #tpu.memory_space<vmem_shared>> -> memref<16xf32, #tpu.memory_space<vmem_shared>>
      tpu.enqueue_dma source(%arg8 : memref<16xf32, #tpu.memory_space<vmem>>) target(%dma_start3A_19 : memref<16xf32, #tpu.memory_space<vmem_shared>>) target_semaphore(%run_scoped3A : memref<!tpu.dma_semaphore, #tpu.memory_space<semaphore_mem>>)
      %dma_wait3A = arith.constant 0 : i32
      %dma_wait3A_20 = tpu.memref_slice %arg13[%arg1, %dma_wait3A] : memref<16x16xf32, #tpu.memory_space<vmem_shared>> -> memref<1x16xf32, #tpu.memory_space<vmem_shared>>
      %dma_wait3A_21 = tpu.memref_squeeze %dma_wait3A_20 : memref<1x16xf32, #tpu.memory_space<vmem_shared>> -> memref<16xf32, #tpu.memory_space<vmem_shared>>
      %dma_wait3A_22 = arith.constant 0 : i32
      %dma_wait3A_23 = tpu.memref_slice %arg13[%arg1, %dma_wait3A_22] : memref<16x16xf32, #tpu.memory_space<vmem_shared>> -> memref<1x16xf32, #tpu.memory_space<vmem_shared>>
      %dma_wait3A_24 = tpu.memref_squeeze %dma_wait3A_23 : memref<1x16xf32, #tpu.memory_space<vmem_shared>> -> memref<16xf32, #tpu.memory_space<vmem_shared>>
      tpu.wait_dma2 semaphore(%run_scoped3A : memref<!tpu.dma_semaphore, #tpu.memory_space<semaphore_mem>>) src(%arg8 : memref<16xf32, #tpu.memory_space<vmem>>) dst(%dma_wait3A_24 : memref<16xf32, #tpu.memory_space<vmem_shared>>)
      tpu.yield
    }) : () -> ()
    "tpu.region"() ({
      %run_scoped3A = tpu.sem_alloc : memref<!tpu.dma_semaphore, #tpu.memory_space<semaphore_mem>>
      %dma_start3A = arith.constant 0 : i32
      %dma_start3A_15 = tpu.memref_slice %arg14[%arg1, %dma_start3A] : memref<16x16xi32, #tpu.memory_space<vmem_shared>> -> memref<1x16xi32, #tpu.memory_space<vmem_shared>>
      %dma_start3A_16 = tpu.memref_squeeze %dma_start3A_15 : memref<1x16xi32, #tpu.memory_space<vmem_shared>> -> memref<16xi32, #tpu.memory_space<vmem_shared>>
      %dma_start3A_17 = arith.constant 0 : i32
      %dma_start3A_18 = tpu.memref_slice %arg14[%arg1, %dma_start3A_17] : memref<16x16xi32, #tpu.memory_space<vmem_shared>> -> memref<1x16xi32, #tpu.memory_space<vmem_shared>>
      %dma_start3A_19 = tpu.memref_squeeze %dma_start3A_18 : memref<1x16xi32, #tpu.memory_space<vmem_shared>> -> memref<16xi32, #tpu.memory_space<vmem_shared>>
      tpu.enqueue_dma source(%arg9 : memref<16xi32, #tpu.memory_space<vmem>>) target(%dma_start3A_19 : memref<16xi32, #tpu.memory_space<vmem_shared>>) target_semaphore(%run_scoped3A : memref<!tpu.dma_semaphore, #tpu.memory_space<semaphore_mem>>)
      %dma_wait3A = arith.constant 0 : i32
      %dma_wait3A_20 = tpu.memref_slice %arg14[%arg1, %dma_wait3A] : memref<16x16xi32, #tpu.memory_space<vmem_shared>> -> memref<1x16xi32, #tpu.memory_space<vmem_shared>>
      %dma_wait3A_21 = tpu.memref_squeeze %dma_wait3A_20 : memref<1x16xi32, #tpu.memory_space<vmem_shared>> -> memref<16xi32, #tpu.memory_space<vmem_shared>>
      %dma_wait3A_22 = arith.constant 0 : i32
      %dma_wait3A_23 = tpu.memref_slice %arg14[%arg1, %dma_wait3A_22] : memref<16x16xi32, #tpu.memory_space<vmem_shared>> -> memref<1x16xi32, #tpu.memory_space<vmem_shared>>
      %dma_wait3A_24 = tpu.memref_squeeze %dma_wait3A_23 : memref<1x16xi32, #tpu.memory_space<vmem_shared>> -> memref<16xi32, #tpu.memory_space<vmem_shared>>
      tpu.wait_dma2 semaphore(%run_scoped3A : memref<!tpu.dma_semaphore, #tpu.memory_space<semaphore_mem>>) src(%arg9 : memref<16xi32, #tpu.memory_space<vmem>>) dst(%dma_wait3A_24 : memref<16xi32, #tpu.memory_space<vmem_shared>>)
      tpu.yield
    }) : () -> ()
    %barrier3A = arith.constant 0 : index
    tpu.barrier barrier_id(%barrier3A)
    %eq3A = arith.constant 0 : i32
    %eq3A_13 = arith.cmpi eq, %arg1, %eq3A : i32
    %convert_element_type3A = arith.extui %eq3A_13 : i1 to i32
    %cond3A = arith.constant 0 : i32
    %cond3A_14 = arith.cmpi ne, %convert_element_type3A, %cond3A : i32
    scf.if %cond3A_14 {
      "tpu.region"() ({
        %run_scoped3A = tpu.sem_alloc : memref<!tpu.dma_semaphore, #tpu.memory_space<semaphore_mem>>
        tpu.enqueue_dma source(%arg13 : memref<16x16xf32, #tpu.memory_space<vmem_shared>>) target(%arg10 : memref<16x16xf32, #tpu.memory_space<vmem>>) target_semaphore(%run_scoped3A : memref<!tpu.dma_semaphore, #tpu.memory_space<semaphore_mem>>)
        tpu.wait_dma2 semaphore(%run_scoped3A : memref<!tpu.dma_semaphore, #tpu.memory_space<semaphore_mem>>) src(%arg13 : memref<16x16xf32, #tpu.memory_space<vmem_shared>>) dst(%arg10 : memref<16x16xf32, #tpu.memory_space<vmem>>)
        tpu.yield
      }) : () -> ()
      "tpu.region"() ({
        %run_scoped3A = tpu.sem_alloc : memref<!tpu.dma_semaphore, #tpu.memory_space<semaphore_mem>>
        tpu.enqueue_dma source(%arg14 : memref<16x16xi32, #tpu.memory_space<vmem_shared>>) target(%arg11 : memref<16x16xi32, #tpu.memory_space<vmem>>) target_semaphore(%run_scoped3A : memref<!tpu.dma_semaphore, #tpu.memory_space<semaphore_mem>>)
        tpu.wait_dma2 semaphore(%run_scoped3A : memref<!tpu.dma_semaphore, #tpu.memory_space<semaphore_mem>>) src(%arg14 : memref<16x16xi32, #tpu.memory_space<vmem_shared>>) dst(%arg11 : memref<16x16xi32, #tpu.memory_space<vmem>>)
        tpu.yield
      }) : () -> ()
      %get3A = arith.constant 0 : i32
      %get3A_15 = arith.index_cast %get3A : i32 to index
      %get3A_16 = arith.constant 0 : index
      %get3A_17 = tpu.vector_load %arg10[%get3A_15, %get3A_16] {strides = array<i32>} : memref<16x16xf32, #tpu.memory_space<vmem>>, vector<16xf32>,
      %get3A_18 = arith.constant 0 : i32
      %get3A_19 = arith.index_cast %get3A_18 : i32 to index
      %get3A_20 = arith.constant 0 : index
      %get3A_21 = tpu.vector_load %arg11[%get3A_19, %get3A_20] {strides = array<i32>} : memref<16x16xi32, #tpu.memory_space<vmem>>, vector<16xi32>,
      %get3A_22 = arith.constant 1 : i32
      %get3A_23 = arith.index_cast %get3A_22 : i32 to index
      %get3A_24 = arith.constant 0 : index
      %get3A_25 = tpu.vector_load %arg10[%get3A_23, %get3A_24] {strides = array<i32>} : memref<16x16xf32, #tpu.memory_space<vmem>>, vector<16xf32>,
      %get3A_26 = arith.constant 1 : i32
      %get3A_27 = arith.index_cast %get3A_26 : i32 to index
      %get3A_28 = arith.constant 0 : index
      %get3A_29 = tpu.vector_load %arg11[%get3A_27, %get3A_28] {strides = array<i32>} : memref<16x16xi32, #tpu.memory_space<vmem>>, vector<16xi32>,
      %gt3A = arith.cmpf ogt, %get3A_25, %get3A_17 : vector<16xf32>
      %eq3A_30 = arith.cmpf oeq, %get3A_25, %get3A_17 : vector<16xf32>
      %lt3A = arith.cmpi slt, %get3A_29, %get3A_21 : vector<16xi32>
      %and3A = arith.andi %eq3A_30, %lt3A : vector<16xi1>
      %or3A = arith.ori %gt3A, %and3A : vector<16xi1>
      %select_n3A = arith.select %or3A, %get3A_25, %get3A_17 : vector<16xi1>, vector<16xf32>
      %select_n3A_31 = arith.select %or3A, %get3A_29, %get3A_21 : vector<16xi1>, vector<16xi32>
      %get3A_32 = arith.constant 2 : i32
      %get3A_33 = arith.index_cast %get3A_32 : i32 to index
      %get3A_34 = arith.constant 0 : index
      %get3A_35 = tpu.vector_load %arg10[%get3A_33, %get3A_34] {strides = array<i32>} : memref<16x16xf32, #tpu.memory_space<vmem>>, vector<16xf32>,
      %get3A_36 = arith.constant 2 : i32
      %get3A_37 = arith.index_cast %get3A_36 : i32 to index
      %get3A_38 = arith.constant 0 : index
      %get3A_39 = tpu.vector_load %arg11[%get3A_37, %get3A_38] {strides = array<i32>} : memref<16x16xi32, #tpu.memory_space<vmem>>, vector<16xi32>,
      %gt3A_40 = arith.cmpf ogt, %get3A_35, %select_n3A : vector<16xf32>
      %eq3A_41 = arith.cmpf oeq, %get3A_35, %select_n3A : vector<16xf32>
      %lt3A_42 = arith.cmpi slt, %get3A_39, %select_n3A_31 : vector<16xi32>
      %and3A_43 = arith.andi %eq3A_41, %lt3A_42 : vector<16xi1>
      %or3A_44 = arith.ori %gt3A_40, %and3A_43 : vector<16xi1>
      %select_n3A_45 = arith.select %or3A_44, %get3A_35, %select_n3A : vector<16xi1>, vector<16xf32>
      %select_n3A_46 = arith.select %or3A_44, %get3A_39, %select_n3A_31 : vector<16xi1>, vector<16xi32>
      %get3A_47 = arith.constant 3 : i32
      %get3A_48 = arith.index_cast %get3A_47 : i32 to index
      %get3A_49 = arith.constant 0 : index
      %get3A_50 = tpu.vector_load %arg10[%get3A_48, %get3A_49] {strides = array<i32>} : memref<16x16xf32, #tpu.memory_space<vmem>>, vector<16xf32>,
      %get3A_51 = arith.constant 3 : i32
      %get3A_52 = arith.index_cast %get3A_51 : i32 to index
      %get3A_53 = arith.constant 0 : index
      %get3A_54 = tpu.vector_load %arg11[%get3A_52, %get3A_53] {strides = array<i32>} : memref<16x16xi32, #tpu.memory_space<vmem>>, vector<16xi32>,
      %gt3A_55 = arith.cmpf ogt, %get3A_50, %select_n3A_45 : vector<16xf32>
      %eq3A_56 = arith.cmpf oeq, %get3A_50, %select_n3A_45 : vector<16xf32>
      %lt3A_57 = arith.cmpi slt, %get3A_54, %select_n3A_46 : vector<16xi32>
      %and3A_58 = arith.andi %eq3A_56, %lt3A_57 : vector<16xi1>
      %or3A_59 = arith.ori %gt3A_55, %and3A_58 : vector<16xi1>
      %select_n3A_60 = arith.select %or3A_59, %get3A_50, %select_n3A_45 : vector<16xi1>, vector<16xf32>
      %select_n3A_61 = arith.select %or3A_59, %get3A_54, %select_n3A_46 : vector<16xi1>, vector<16xi32>
      %get3A_62 = arith.constant 4 : i32
      %get3A_63 = arith.index_cast %get3A_62 : i32 to index
      %get3A_64 = arith.constant 0 : index
      %get3A_65 = tpu.vector_load %arg10[%get3A_63, %get3A_64] {strides = array<i32>} : memref<16x16xf32, #tpu.memory_space<vmem>>, vector<16xf32>,
      %get3A_66 = arith.constant 4 : i32
      %get3A_67 = arith.index_cast %get3A_66 : i32 to index
      %get3A_68 = arith.constant 0 : index
      %get3A_69 = tpu.vector_load %arg11[%get3A_67, %get3A_68] {strides = array<i32>} : memref<16x16xi32, #tpu.memory_space<vmem>>, vector<16xi32>,
      %gt3A_70 = arith.cmpf ogt, %get3A_65, %select_n3A_60 : vector<16xf32>
      %eq3A_71 = arith.cmpf oeq, %get3A_65, %select_n3A_60 : vector<16xf32>
      %lt3A_72 = arith.cmpi slt, %get3A_69, %select_n3A_61 : vector<16xi32>
      %and3A_73 = arith.andi %eq3A_71, %lt3A_72 : vector<16xi1>
      %or3A_74 = arith.ori %gt3A_70, %and3A_73 : vector<16xi1>
      %select_n3A_75 = arith.select %or3A_74, %get3A_65, %select_n3A_60 : vector<16xi1>, vector<16xf32>
      %select_n3A_76 = arith.select %or3A_74, %get3A_69, %select_n3A_61 : vector<16xi1>, vector<16xi32>
      %get3A_77 = arith.constant 5 : i32
      %get3A_78 = arith.index_cast %get3A_77 : i32 to index
      %get3A_79 = arith.constant 0 : index
      %get3A_80 = tpu.vector_load %arg10[%get3A_78, %get3A_79] {strides = array<i32>} : memref<16x16xf32, #tpu.memory_space<vmem>>, vector<16xf32>,
      %get3A_81 = arith.constant 5 : i32
      %get3A_82 = arith.index_cast %get3A_81 : i32 to index
      %get3A_83 = arith.constant 0 : index
      %get3A_84 = tpu.vector_load %arg11[%get3A_82, %get3A_83] {strides = array<i32>} : memref<16x16xi32, #tpu.memory_space<vmem>>, vector<16xi32>,
      %gt3A_85 = arith.cmpf ogt, %get3A_80, %select_n3A_75 : vector<16xf32>
      %eq3A_86 = arith.cmpf oeq, %get3A_80, %select_n3A_75 : vector<16xf32>
      %lt3A_87 = arith.cmpi slt, %get3A_84, %select_n3A_76 : vector<16xi32>
      %and3A_88 = arith.andi %eq3A_86, %lt3A_87 : vector<16xi1>
      %or3A_89 = arith.ori %gt3A_85, %and3A_88 : vector<16xi1>
      %select_n3A_90 = arith.select %or3A_89, %get3A_80, %select_n3A_75 : vector<16xi1>, vector<16xf32>
      %select_n3A_91 = arith.select %or3A_89, %get3A_84, %select_n3A_76 : vector<16xi1>, vector<16xi32>
      %get3A_92 = arith.constant 6 : i32
      %get3A_93 = arith.index_cast %get3A_92 : i32 to index
      %get3A_94 = arith.constant 0 : index
      %get3A_95 = tpu.vector_load %arg10[%get3A_93, %get3A_94] {strides = array<i32>} : memref<16x16xf32, #tpu.memory_space<vmem>>, vector<16xf32>,
      %get3A_96 = arith.constant 6 : i32
      %get3A_97 = arith.index_cast %get3A_96 : i32 to index
      %get3A_98 = arith.constant 0 : index
      %get3A_99 = tpu.vector_load %arg11[%get3A_97, %get3A_98] {strides = array<i32>} : memref<16x16xi32, #tpu.memory_space<vmem>>, vector<16xi32>,
      %gt3A_100 = arith.cmpf ogt, %get3A_95, %select_n3A_90 : vector<16xf32>
      %eq3A_101 = arith.cmpf oeq, %get3A_95, %select_n3A_90 : vector<16xf32>
      %lt3A_102 = arith.cmpi slt, %get3A_99, %select_n3A_91 : vector<16xi32>
      %and3A_103 = arith.andi %eq3A_101, %lt3A_102 : vector<16xi1>
      %or3A_104 = arith.ori %gt3A_100, %and3A_103 : vector<16xi1>
      %select_n3A_105 = arith.select %or3A_104, %get3A_95, %select_n3A_90 : vector<16xi1>, vector<16xf32>
      %select_n3A_106 = arith.select %or3A_104, %get3A_99, %select_n3A_91 : vector<16xi1>, vector<16xi32>
      %get3A_107 = arith.constant 7 : i32
      %get3A_108 = arith.index_cast %get3A_107 : i32 to index
      %get3A_109 = arith.constant 0 : index
      %get3A_110 = tpu.vector_load %arg10[%get3A_108, %get3A_109] {strides = array<i32>} : memref<16x16xf32, #tpu.memory_space<vmem>>, vector<16xf32>,
      %get3A_111 = arith.constant 7 : i32
      %get3A_112 = arith.index_cast %get3A_111 : i32 to index
      %get3A_113 = arith.constant 0 : index
      %get3A_114 = tpu.vector_load %arg11[%get3A_112, %get3A_113] {strides = array<i32>} : memref<16x16xi32, #tpu.memory_space<vmem>>, vector<16xi32>,
      %gt3A_115 = arith.cmpf ogt, %get3A_110, %select_n3A_105 : vector<16xf32>
      %eq3A_116 = arith.cmpf oeq, %get3A_110, %select_n3A_105 : vector<16xf32>
      %lt3A_117 = arith.cmpi slt, %get3A_114, %select_n3A_106 : vector<16xi32>
      %and3A_118 = arith.andi %eq3A_116, %lt3A_117 : vector<16xi1>
      %or3A_119 = arith.ori %gt3A_115, %and3A_118 : vector<16xi1>
      %select_n3A_120 = arith.select %or3A_119, %get3A_110, %select_n3A_105 : vector<16xi1>, vector<16xf32>
      %select_n3A_121 = arith.select %or3A_119, %get3A_114, %select_n3A_106 : vector<16xi1>, vector<16xi32>
      %get3A_122 = arith.constant 8 : i32
      %get3A_123 = arith.index_cast %get3A_122 : i32 to index
      %get3A_124 = arith.constant 0 : index
      %get3A_125 = tpu.vector_load %arg10[%get3A_123, %get3A_124] {strides = array<i32>} : memref<16x16xf32, #tpu.memory_space<vmem>>, vector<16xf32>,
      %get3A_126 = arith.constant 8 : i32
      %get3A_127 = arith.index_cast %get3A_126 : i32 to index
      %get3A_128 = arith.constant 0 : index
      %get3A_129 = tpu.vector_load %arg11[%get3A_127, %get3A_128] {strides = array<i32>} : memref<16x16xi32, #tpu.memory_space<vmem>>, vector<16xi32>,
      %gt3A_130 = arith.cmpf ogt, %get3A_125, %select_n3A_120 : vector<16xf32>
      %eq3A_131 = arith.cmpf oeq, %get3A_125, %select_n3A_120 : vector<16xf32>
      %lt3A_132 = arith.cmpi slt, %get3A_129, %select_n3A_121 : vector<16xi32>
      %and3A_133 = arith.andi %eq3A_131, %lt3A_132 : vector<16xi1>
      %or3A_134 = arith.ori %gt3A_130, %and3A_133 : vector<16xi1>
      %select_n3A_135 = arith.select %or3A_134, %get3A_125, %select_n3A_120 : vector<16xi1>, vector<16xf32>
      %select_n3A_136 = arith.select %or3A_134, %get3A_129, %select_n3A_121 : vector<16xi1>, vector<16xi32>
      %get3A_137 = arith.constant 9 : i32
      %get3A_138 = arith.index_cast %get3A_137 : i32 to index
      %get3A_139 = arith.constant 0 : index
      %get3A_140 = tpu.vector_load %arg10[%get3A_138, %get3A_139] {strides = array<i32>} : memref<16x16xf32, #tpu.memory_space<vmem>>, vector<16xf32>,
      %get3A_141 = arith.constant 9 : i32
      %get3A_142 = arith.index_cast %get3A_141 : i32 to index
      %get3A_143 = arith.constant 0 : index
      %get3A_144 = tpu.vector_load %arg11[%get3A_142, %get3A_143] {strides = array<i32>} : memref<16x16xi32, #tpu.memory_space<vmem>>, vector<16xi32>,
      %gt3A_145 = arith.cmpf ogt, %get3A_140, %select_n3A_135 : vector<16xf32>
      %eq3A_146 = arith.cmpf oeq, %get3A_140, %select_n3A_135 : vector<16xf32>
      %lt3A_147 = arith.cmpi slt, %get3A_144, %select_n3A_136 : vector<16xi32>
      %and3A_148 = arith.andi %eq3A_146, %lt3A_147 : vector<16xi1>
      %or3A_149 = arith.ori %gt3A_145, %and3A_148 : vector<16xi1>
      %select_n3A_150 = arith.select %or3A_149, %get3A_140, %select_n3A_135 : vector<16xi1>, vector<16xf32>
      %select_n3A_151 = arith.select %or3A_149, %get3A_144, %select_n3A_136 : vector<16xi1>, vector<16xi32>
      %get3A_152 = arith.constant 10 : i32
      %get3A_153 = arith.index_cast %get3A_152 : i32 to index
      %get3A_154 = arith.constant 0 : index
      %get3A_155 = tpu.vector_load %arg10[%get3A_153, %get3A_154] {strides = array<i32>} : memref<16x16xf32, #tpu.memory_space<vmem>>, vector<16xf32>,
      %get3A_156 = arith.constant 10 : i32
      %get3A_157 = arith.index_cast %get3A_156 : i32 to index
      %get3A_158 = arith.constant 0 : index
      %get3A_159 = tpu.vector_load %arg11[%get3A_157, %get3A_158] {strides = array<i32>} : memref<16x16xi32, #tpu.memory_space<vmem>>, vector<16xi32>,
      %gt3A_160 = arith.cmpf ogt, %get3A_155, %select_n3A_150 : vector<16xf32>
      %eq3A_161 = arith.cmpf oeq, %get3A_155, %select_n3A_150 : vector<16xf32>
      %lt3A_162 = arith.cmpi slt, %get3A_159, %select_n3A_151 : vector<16xi32>
      %and3A_163 = arith.andi %eq3A_161, %lt3A_162 : vector<16xi1>
      %or3A_164 = arith.ori %gt3A_160, %and3A_163 : vector<16xi1>
      %select_n3A_165 = arith.select %or3A_164, %get3A_155, %select_n3A_150 : vector<16xi1>, vector<16xf32>
      %select_n3A_166 = arith.select %or3A_164, %get3A_159, %select_n3A_151 : vector<16xi1>, vector<16xi32>
      %get3A_167 = arith.constant 11 : i32
      %get3A_168 = arith.index_cast %get3A_167 : i32 to index
      %get3A_169 = arith.constant 0 : index
      %get3A_170 = tpu.vector_load %arg10[%get3A_168, %get3A_169] {strides = array<i32>} : memref<16x16xf32, #tpu.memory_space<vmem>>, vector<16xf32>,
      %get3A_171 = arith.constant 11 : i32
      %get3A_172 = arith.index_cast %get3A_171 : i32 to index
      %get3A_173 = arith.constant 0 : index
      %get3A_174 = tpu.vector_load %arg11[%get3A_172, %get3A_173] {strides = array<i32>} : memref<16x16xi32, #tpu.memory_space<vmem>>, vector<16xi32>,
      %gt3A_175 = arith.cmpf ogt, %get3A_170, %select_n3A_165 : vector<16xf32>
      %eq3A_176 = arith.cmpf oeq, %get3A_170, %select_n3A_165 : vector<16xf32>
      %lt3A_177 = arith.cmpi slt, %get3A_174, %select_n3A_166 : vector<16xi32>
      %and3A_178 = arith.andi %eq3A_176, %lt3A_177 : vector<16xi1>
      %or3A_179 = arith.ori %gt3A_175, %and3A_178 : vector<16xi1>
      %select_n3A_180 = arith.select %or3A_179, %get3A_170, %select_n3A_165 : vector<16xi1>, vector<16xf32>
      %select_n3A_181 = arith.select %or3A_179, %get3A_174, %select_n3A_166 : vector<16xi1>, vector<16xi32>
      %get3A_182 = arith.constant 12 : i32
      %get3A_183 = arith.index_cast %get3A_182 : i32 to index
      %get3A_184 = arith.constant 0 : index
      %get3A_185 = tpu.vector_load %arg10[%get3A_183, %get3A_184] {strides = array<i32>} : memref<16x16xf32, #tpu.memory_space<vmem>>, vector<16xf32>,
      %get3A_186 = arith.constant 12 : i32
      %get3A_187 = arith.index_cast %get3A_186 : i32 to index
      %get3A_188 = arith.constant 0 : index
      %get3A_189 = tpu.vector_load %arg11[%get3A_187, %get3A_188] {strides = array<i32>} : memref<16x16xi32, #tpu.memory_space<vmem>>, vector<16xi32>,
      %gt3A_190 = arith.cmpf ogt, %get3A_185, %select_n3A_180 : vector<16xf32>
      %eq3A_191 = arith.cmpf oeq, %get3A_185, %select_n3A_180 : vector<16xf32>
      %lt3A_192 = arith.cmpi slt, %get3A_189, %select_n3A_181 : vector<16xi32>
      %and3A_193 = arith.andi %eq3A_191, %lt3A_192 : vector<16xi1>
      %or3A_194 = arith.ori %gt3A_190, %and3A_193 : vector<16xi1>
      %select_n3A_195 = arith.select %or3A_194, %get3A_185, %select_n3A_180 : vector<16xi1>, vector<16xf32>
      %select_n3A_196 = arith.select %or3A_194, %get3A_189, %select_n3A_181 : vector<16xi1>, vector<16xi32>
      %get3A_197 = arith.constant 13 : i32
      %get3A_198 = arith.index_cast %get3A_197 : i32 to index
      %get3A_199 = arith.constant 0 : index
      %get3A_200 = tpu.vector_load %arg10[%get3A_198, %get3A_199] {strides = array<i32>} : memref<16x16xf32, #tpu.memory_space<vmem>>, vector<16xf32>,
      %get3A_201 = arith.constant 13 : i32
      %get3A_202 = arith.index_cast %get3A_201 : i32 to index
      %get3A_203 = arith.constant 0 : index
      %get3A_204 = tpu.vector_load %arg11[%get3A_202, %get3A_203] {strides = array<i32>} : memref<16x16xi32, #tpu.memory_space<vmem>>, vector<16xi32>,
      %gt3A_205 = arith.cmpf ogt, %get3A_200, %select_n3A_195 : vector<16xf32>
      %eq3A_206 = arith.cmpf oeq, %get3A_200, %select_n3A_195 : vector<16xf32>
      %lt3A_207 = arith.cmpi slt, %get3A_204, %select_n3A_196 : vector<16xi32>
      %and3A_208 = arith.andi %eq3A_206, %lt3A_207 : vector<16xi1>
      %or3A_209 = arith.ori %gt3A_205, %and3A_208 : vector<16xi1>
      %select_n3A_210 = arith.select %or3A_209, %get3A_200, %select_n3A_195 : vector<16xi1>, vector<16xf32>
      %select_n3A_211 = arith.select %or3A_209, %get3A_204, %select_n3A_196 : vector<16xi1>, vector<16xi32>
      %get3A_212 = arith.constant 14 : i32
      %get3A_213 = arith.index_cast %get3A_212 : i32 to index
      %get3A_214 = arith.constant 0 : index
      %get3A_215 = tpu.vector_load %arg10[%get3A_213, %get3A_214] {strides = array<i32>} : memref<16x16xf32, #tpu.memory_space<vmem>>, vector<16xf32>,
      %get3A_216 = arith.constant 14 : i32
      %get3A_217 = arith.index_cast %get3A_216 : i32 to index
      %get3A_218 = arith.constant 0 : index
      %get3A_219 = tpu.vector_load %arg11[%get3A_217, %get3A_218] {strides = array<i32>} : memref<16x16xi32, #tpu.memory_space<vmem>>, vector<16xi32>,
      %gt3A_220 = arith.cmpf ogt, %get3A_215, %select_n3A_210 : vector<16xf32>
      %eq3A_221 = arith.cmpf oeq, %get3A_215, %select_n3A_210 : vector<16xf32>
      %lt3A_222 = arith.cmpi slt, %get3A_219, %select_n3A_211 : vector<16xi32>
      %and3A_223 = arith.andi %eq3A_221, %lt3A_222 : vector<16xi1>
      %or3A_224 = arith.ori %gt3A_220, %and3A_223 : vector<16xi1>
      %select_n3A_225 = arith.select %or3A_224, %get3A_215, %select_n3A_210 : vector<16xi1>, vector<16xf32>
      %select_n3A_226 = arith.select %or3A_224, %get3A_219, %select_n3A_211 : vector<16xi1>, vector<16xi32>
      %get3A_227 = arith.constant 15 : i32
      %get3A_228 = arith.index_cast %get3A_227 : i32 to index
      %get3A_229 = arith.constant 0 : index
      %get3A_230 = tpu.vector_load %arg10[%get3A_228, %get3A_229] {strides = array<i32>} : memref<16x16xf32, #tpu.memory_space<vmem>>, vector<16xf32>,
      %get3A_231 = arith.constant 15 : i32
      %get3A_232 = arith.index_cast %get3A_231 : i32 to index
      %get3A_233 = arith.constant 0 : index
      %get3A_234 = tpu.vector_load %arg11[%get3A_232, %get3A_233] {strides = array<i32>} : memref<16x16xi32, #tpu.memory_space<vmem>>, vector<16xi32>,
      %gt3A_235 = arith.cmpf ogt, %get3A_230, %select_n3A_225 : vector<16xf32>
      %eq3A_236 = arith.cmpf oeq, %get3A_230, %select_n3A_225 : vector<16xf32>
      %lt3A_237 = arith.cmpi slt, %get3A_234, %select_n3A_226 : vector<16xi32>
      %and3A_238 = arith.andi %eq3A_236, %lt3A_237 : vector<16xi1>
      %or3A_239 = arith.ori %gt3A_235, %and3A_238 : vector<16xi1>
      %select_n3A_240 = arith.select %or3A_239, %get3A_230, %select_n3A_225 : vector<16xi1>, vector<16xf32>
      %select_n3A_241 = arith.select %or3A_239, %get3A_234, %select_n3A_226 : vector<16xi1>, vector<16xi32>
      %reduce_max3A = arith.constant true
      %reduce_max3A_242 = vector.broadcast %reduce_max3A : i1 to vector<16xi1>
      %reduce_max3A_243 = tpu.scan <max>, %select_n3A_240 masked %reduce_max3A_242 : vector<16xf32>, vector<16xi1> -> vector<16xf32>
      %reduce_max3A_244 = vector.extract %reduce_max3A_243[15] : f32 from vector<16xf32>
      %eq3A_245 = vector.broadcast %reduce_max3A_244 : f32 to vector<16xf32>
      %eq3A_246 = arith.cmpf oeq, %select_n3A_240, %eq3A_245 : vector<16xf32>
      %jit3A = arith.constant 2147483647 : i32
      %broadcast_in_dim3A_247 = vector.broadcast %jit3A : i32 to vector<16xi32>
      %select_n3A_248 = arith.select %eq3A_246, %select_n3A_241, %broadcast_in_dim3A_247 : vector<16xi1>, vector<16xi32>
      %reduce_min3A = arith.constant true
      %reduce_min3A_249 = vector.broadcast %reduce_min3A : i1 to vector<16xi1>
      %reduce_min3A_250 = arith.constant -2147483648 : i32
      %reduce_min3A_251 = vector.broadcast %reduce_min3A_250 : i32 to vector<16xi32>
      %reduce_min3A_252 = arith.xori %select_n3A_248, %reduce_min3A_251 : vector<16xi32>
      %reduce_min3A_253 = tpu.scan <min>, %reduce_min3A_252 masked %reduce_min3A_249 : vector<16xi32>, vector<16xi1> -> vector<16xi32>
      %reduce_min3A_254 = arith.xori %reduce_min3A_253, %reduce_min3A_251 : vector<16xi32>
      %reduce_min3A_255 = vector.extract %reduce_min3A_254[15] : i32 from vector<16xi32>
      "tpu.region"() ({
        %run_scoped3A = tpu.sem_alloc : memref<!tpu.dma_semaphore, #tpu.memory_space<semaphore_mem>>
        %dma_start3A = arith.constant 0 : i32
        %dma_start3A_262 = tpu.memref_slice %arg3[%reduce_min3A_255, %dma_start3A] : memref<100000x128xf32, #tpu.memory_space<hbm>> -> memref<1x128xf32, #tpu.memory_space<hbm>>
        %dma_start3A_263 = arith.constant 0 : i32
        %dma_start3A_264 = tpu.memref_slice %arg3[%reduce_min3A_255, %dma_start3A_263] : memref<100000x128xf32, #tpu.memory_space<hbm>> -> memref<1x128xf32, #tpu.memory_space<hbm>>
        tpu.enqueue_dma source(%dma_start3A_264 : memref<1x128xf32, #tpu.memory_space<hbm>>) target(%arg12 : memref<1x128xf32, #tpu.memory_space<vmem>>) target_semaphore(%run_scoped3A : memref<!tpu.dma_semaphore, #tpu.memory_space<semaphore_mem>>)
        %dma_wait3A = arith.constant 0 : i32
        %dma_wait3A_265 = tpu.memref_slice %arg3[%reduce_min3A_255, %dma_wait3A] : memref<100000x128xf32, #tpu.memory_space<hbm>> -> memref<1x128xf32, #tpu.memory_space<hbm>>
        %dma_wait3A_266 = arith.constant 0 : i32
        %dma_wait3A_267 = tpu.memref_slice %arg3[%reduce_min3A_255, %dma_wait3A_266] : memref<100000x128xf32, #tpu.memory_space<hbm>> -> memref<1x128xf32, #tpu.memory_space<hbm>>
        tpu.wait_dma2 semaphore(%run_scoped3A : memref<!tpu.dma_semaphore, #tpu.memory_space<semaphore_mem>>) src(%dma_wait3A_267 : memref<1x128xf32, #tpu.memory_space<hbm>>) dst(%arg12 : memref<1x128xf32, #tpu.memory_space<vmem>>)
        tpu.yield
      }) : () -> ()
      "tpu.region"() ({
        %run_scoped3A = tpu.sem_alloc : memref<!tpu.dma_semaphore, #tpu.memory_space<semaphore_mem>>
        %dma_start3A = arith.constant 0 : i32
        %dma_start3A_262 = tpu.memref_slice %arg4[%arg0, %dma_start3A] : memref<2x128xf32, #tpu.memory_space<hbm>> -> memref<1x128xf32, #tpu.memory_space<hbm>>
        %dma_start3A_263 = arith.constant 0 : i32
        %dma_start3A_264 = tpu.memref_slice %arg4[%arg0, %dma_start3A_263] : memref<2x128xf32, #tpu.memory_space<hbm>> -> memref<1x128xf32, #tpu.memory_space<hbm>>
        tpu.enqueue_dma source(%arg12 : memref<1x128xf32, #tpu.memory_space<vmem>>) target(%dma_start3A_264 : memref<1x128xf32, #tpu.memory_space<hbm>>) target_semaphore(%run_scoped3A : memref<!tpu.dma_semaphore, #tpu.memory_space<semaphore_mem>>)
        %dma_wait3A = arith.constant 0 : i32
        %dma_wait3A_265 = tpu.memref_slice %arg4[%arg0, %dma_wait3A] : memref<2x128xf32, #tpu.memory_space<hbm>> -> memref<1x128xf32, #tpu.memory_space<hbm>>
        %dma_wait3A_266 = arith.constant 0 : i32
        %dma_wait3A_267 = tpu.memref_slice %arg4[%arg0, %dma_wait3A_266] : memref<2x128xf32, #tpu.memory_space<hbm>> -> memref<1x128xf32, #tpu.memory_space<hbm>>
        tpu.wait_dma2 semaphore(%run_scoped3A : memref<!tpu.dma_semaphore, #tpu.memory_space<semaphore_mem>>) src(%arg12 : memref<1x128xf32, #tpu.memory_space<vmem>>) dst(%dma_wait3A_267 : memref<1x128xf32, #tpu.memory_space<hbm>>)
        tpu.yield
      }) : () -> ()
      %broadcast_in_dim3A_256 = vector.broadcast %reduce_max3A_244 : f32 to vector<16xf32>
      %swap3A_257 = arith.constant 0 : index
      %swap3A_258 = tpu.vector_load %arg8[%swap3A_257] {strides = array<i32>} : memref<16xf32, #tpu.memory_space<vmem>>, vector<16xf32>,
      tpu.vector_store %arg8[%swap3A_257], %broadcast_in_dim3A_256 {strides = array<i32>} : memref<16xf32, #tpu.memory_space<vmem>>, vector<16xf32>,
      %broadcast_in_dim3A_259 = vector.broadcast %reduce_min3A_255 : i32 to vector<16xi32>
      %swap3A_260 = arith.constant 0 : index
      %swap3A_261 = tpu.vector_load %arg9[%swap3A_260] {strides = array<i32>} : memref<16xi32, #tpu.memory_space<vmem>>, vector<16xi32>,
      tpu.vector_store %arg9[%swap3A_260], %broadcast_in_dim3A_259 {strides = array<i32>} : memref<16xi32, #tpu.memory_space<vmem>>, vector<16xi32>,
      "tpu.region"() ({
        %run_scoped3A = tpu.sem_alloc : memref<!tpu.dma_semaphore, #tpu.memory_space<semaphore_mem>>
        %dma_start3A = arith.constant 0 : i32
        %dma_start3A_262 = tpu.memref_slice %arg5[%arg0, %dma_start3A] : memref<2x16xf32, #tpu.memory_space<hbm>> -> memref<1x16xf32, #tpu.memory_space<hbm>>
        %dma_start3A_263 = tpu.memref_squeeze %dma_start3A_262 : memref<1x16xf32, #tpu.memory_space<hbm>> -> memref<16xf32, #tpu.memory_space<hbm>>
        %dma_start3A_264 = arith.constant 0 : i32
        %dma_start3A_265 = tpu.memref_slice %arg5[%arg0, %dma_start3A_264] : memref<2x16xf32, #tpu.memory_space<hbm>> -> memref<1x16xf32, #tpu.memory_space<hbm>>
        %dma_start3A_266 = tpu.memref_squeeze %dma_start3A_265 : memref<1x16xf32, #tpu.memory_space<hbm>> -> memref<16xf32, #tpu.memory_space<hbm>>
        tpu.enqueue_dma source(%arg8 : memref<16xf32, #tpu.memory_space<vmem>>) target(%dma_start3A_266 : memref<16xf32, #tpu.memory_space<hbm>>) target_semaphore(%run_scoped3A : memref<!tpu.dma_semaphore, #tpu.memory_space<semaphore_mem>>)
        %dma_wait3A = arith.constant 0 : i32
        %dma_wait3A_267 = tpu.memref_slice %arg5[%arg0, %dma_wait3A] : memref<2x16xf32, #tpu.memory_space<hbm>> -> memref<1x16xf32, #tpu.memory_space<hbm>>
        %dma_wait3A_268 = tpu.memref_squeeze %dma_wait3A_267 : memref<1x16xf32, #tpu.memory_space<hbm>> -> memref<16xf32, #tpu.memory_space<hbm>>
        %dma_wait3A_269 = arith.constant 0 : i32
        %dma_wait3A_270 = tpu.memref_slice %arg5[%arg0, %dma_wait3A_269] : memref<2x16xf32, #tpu.memory_space<hbm>> -> memref<1x16xf32, #tpu.memory_space<hbm>>
        %dma_wait3A_271 = tpu.memref_squeeze %dma_wait3A_270 : memref<1x16xf32, #tpu.memory_space<hbm>> -> memref<16xf32, #tpu.memory_space<hbm>>
        tpu.wait_dma2 semaphore(%run_scoped3A : memref<!tpu.dma_semaphore, #tpu.memory_space<semaphore_mem>>) src(%arg8 : memref<16xf32, #tpu.memory_space<vmem>>) dst(%dma_wait3A_271 : memref<16xf32, #tpu.memory_space<hbm>>)
        tpu.yield
      }) : () -> ()
      "tpu.region"() ({
        %run_scoped3A = tpu.sem_alloc : memref<!tpu.dma_semaphore, #tpu.memory_space<semaphore_mem>>
        %dma_start3A = arith.constant 0 : i32
        %dma_start3A_262 = tpu.memref_slice %arg6[%arg0, %dma_start3A] : memref<2x16xi32, #tpu.memory_space<hbm>> -> memref<1x16xi32, #tpu.memory_space<hbm>>
        %dma_start3A_263 = tpu.memref_squeeze %dma_start3A_262 : memref<1x16xi32, #tpu.memory_space<hbm>> -> memref<16xi32, #tpu.memory_space<hbm>>
        %dma_start3A_264 = arith.constant 0 : i32
        %dma_start3A_265 = tpu.memref_slice %arg6[%arg0, %dma_start3A_264] : memref<2x16xi32, #tpu.memory_space<hbm>> -> memref<1x16xi32, #tpu.memory_space<hbm>>
        %dma_start3A_266 = tpu.memref_squeeze %dma_start3A_265 : memref<1x16xi32, #tpu.memory_space<hbm>> -> memref<16xi32, #tpu.memory_space<hbm>>
        tpu.enqueue_dma source(%arg9 : memref<16xi32, #tpu.memory_space<vmem>>) target(%dma_start3A_266 : memref<16xi32, #tpu.memory_space<hbm>>) target_semaphore(%run_scoped3A : memref<!tpu.dma_semaphore, #tpu.memory_space<semaphore_mem>>)
        %dma_wait3A = arith.constant 0 : i32
        %dma_wait3A_267 = tpu.memref_slice %arg6[%arg0, %dma_wait3A] : memref<2x16xi32, #tpu.memory_space<hbm>> -> memref<1x16xi32, #tpu.memory_space<hbm>>
        %dma_wait3A_268 = tpu.memref_squeeze %dma_wait3A_267 : memref<1x16xi32, #tpu.memory_space<hbm>> -> memref<16xi32, #tpu.memory_space<hbm>>
        %dma_wait3A_269 = arith.constant 0 : i32
        %dma_wait3A_270 = tpu.memref_slice %arg6[%arg0, %dma_wait3A_269] : memref<2x16xi32, #tpu.memory_space<hbm>> -> memref<1x16xi32, #tpu.memory_space<hbm>>
        %dma_wait3A_271 = tpu.memref_squeeze %dma_wait3A_270 : memref<1x16xi32, #tpu.memory_space<hbm>> -> memref<16xi32, #tpu.memory_space<hbm>>
        tpu.wait_dma2 semaphore(%run_scoped3A : memref<!tpu.dma_semaphore, #tpu.memory_space<semaphore_mem>>) src(%arg9 : memref<16xi32, #tpu.memory_space<vmem>>) dst(%dma_wait3A_271 : memref<16xi32, #tpu.memory_space<hbm>>)
        tpu.yield
      }) : () -> ()
    } else {
    }
    return
  }
}

module attributes {stable_mosaic.version = 14 : i64} {
  func.func @_tc_sims(%arg0: i32, %arg1: memref<1x128xf32, #tpu.memory_space<vmem>>, %arg2: memref<8192x128xf32, #tpu.memory_space<vmem>>, %arg3: memref<64x128xf32, #tpu.memory_space<vmem>>) attributes {dimension_semantics = [#tpu.dimension_semantics<arbitrary>], iteration_bounds = array<i64: 13>, scalar_prefetch = 0 : i64, scratch_operands = 0 : i64, tpu.core_type = #tpu.core_type<tc>, window_params = [{pipeline_mode = #tpu.pipeline_mode<synchronous>, transform_indices = @transform_0, window_bounds = array<i64: 1, 128>}, {transform_indices = @transform_1, window_bounds = array<i64: 8192, 128>}, {transform_indices = @transform_2, window_bounds = array<i64: 64, 128>}]} {
    %get3A = arith.constant 0 : index
    %get3A_0 = arith.constant 0 : index
    %get3A_1 = vector.load %arg1[%get3A, %get3A_0] : memref<1x128xf32, #tpu.memory_space<vmem>>, vector<1x128xf32>
    %get3A_2 = vector.shape_cast %get3A_1 : vector<1x128xf32> to vector<128xf32>
    %mul3A = arith.mulf %get3A_2, %get3A_2 : vector<128xf32>
    %reduce_sum3A = vector.shape_cast %mul3A : vector<128xf32> to vector<1x128xf32>
    %reduce_sum3A_3 = arith.constant dense<0.000000e+00> : vector<1xf32>
    %reduce_sum3A_4 = vector.multi_reduction <add>, %reduce_sum3A, %reduce_sum3A_3 [1] : vector<1x128xf32> to vector<1xf32>
    %reduce_sum3A_5 = vector.shape_cast %reduce_sum3A_4 : vector<1xf32> to vector<1x1xf32>
    %reduce_sum3A_6 = vector.extract %reduce_sum3A_5[0, 0] : f32 from vector<1x1xf32>
    %sqrt3A = math.sqrt %reduce_sum3A_6 : f32
    %max3A = arith.constant 9.99999993E-9 : f32
    %max3A_7 = arith.maximumf %sqrt3A, %max3A : f32
    %get3A_8 = arith.constant 0 : index
    %get3A_9 = arith.constant 0 : index
    %get3A_10 = vector.load %arg2[%get3A_8, %get3A_9] : memref<8192x128xf32, #tpu.memory_space<vmem>>, vector<8192x128xf32>
    %get3A_11 = arith.constant 0 : index
    %get3A_12 = arith.constant 0 : index
    %get3A_13 = vector.load %arg1[%get3A_11, %get3A_12] : memref<1x128xf32, #tpu.memory_space<vmem>>, vector<1x128xf32>
    %reshape3A = vector.shape_cast %get3A_13 : vector<1x128xf32> to vector<128x1xf32>
    %dot_general3A = arith.constant dense<0.000000e+00> : vector<8192x1xf32>
    %dot_general3A_14 = tpu.matmul %get3A_10, %reshape3A, %dot_general3A {dimension_numbers = #tpu.dot_dimension_numbers<[1], [0], [0], [1], [0, 0, 1, 1], [], []>, transpose_lhs_hint = false} : vector<8192x128xf32>, vector<128x1xf32>, vector<8192x1xf32> -> vector<8192x1xf32>
    %mul3A_15 = arith.mulf %get3A_10, %get3A_10 : vector<8192x128xf32>
    %broadcast_in_dim3A = arith.constant 1.000000e+00 : f32
    %broadcast_in_dim3A_16 = vector.broadcast %broadcast_in_dim3A : f32 to vector<128x1xf32>
    %dot_general3A_17 = arith.constant dense<0.000000e+00> : vector<8192x1xf32>
    %dot_general3A_18 = tpu.matmul %mul3A_15, %broadcast_in_dim3A_16, %dot_general3A_17 {dimension_numbers = #tpu.dot_dimension_numbers<[1], [0], [0], [1], [0, 0, 1, 1], [], []>, transpose_lhs_hint = false} : vector<8192x128xf32>, vector<128x1xf32>, vector<8192x1xf32> -> vector<8192x1xf32>
    %sqrt3A_19 = math.sqrt %dot_general3A_18 : vector<8192x1xf32>
    %max3A_20 = arith.constant 9.99999993E-9 : f32
    %max3A_21 = vector.broadcast %max3A_20 : f32 to vector<8192x1xf32>
    %max3A_22 = arith.maximumf %sqrt3A_19, %max3A_21 : vector<8192x1xf32>
    %mul3A_23 = vector.broadcast %max3A_7 : f32 to vector<8192x1xf32>
    %mul3A_24 = arith.mulf %mul3A_23, %max3A_22 : vector<8192x1xf32>
    %div3A = arith.divf %dot_general3A_14, %mul3A_24 : vector<8192x1xf32>
    %reshape3A_25 = vector.shape_cast %div3A : vector<8192x1xf32> to vector<64x128xf32>
    %swap3A = arith.constant 0 : index
    %swap3A_26 = arith.constant 0 : index
    %swap3A_27 = vector.load %arg3[%swap3A, %swap3A_26] : memref<64x128xf32, #tpu.memory_space<vmem>>, vector<64x128xf32>
    tpu.vector_store %arg3[%swap3A, %swap3A_26], %reshape3A_25 {strides = array<i32>} : memref<64x128xf32, #tpu.memory_space<vmem>>, vector<64x128xf32>,
    return
  }
  func.func @transform_0(%arg0: i32) -> (i32, i32) {
    %c0_i32 = arith.constant 0 : i32
    %c0_i32_0 = arith.constant 0 : i32
    %c0_i32_1 = arith.constant 0 : i32
    return %c0_i32, %c0_i32_0 : i32, i32
  }
  func.func @transform_1(%arg0: i32) -> (i32, i32) {
    %c0_i32 = arith.constant 0 : i32
    %c0_i32_0 = arith.constant 0 : i32
    return %arg0, %c0_i32 : i32, i32
  }
  func.func @transform_2(%arg0: i32) -> (i32, i32) {
    %c0_i32 = arith.constant 0 : i32
    %c0_i32_0 = arith.constant 0 : i32
    return %arg0, %c0_i32 : i32, i32
  }
}

</mosaic_0001>

<sc_bundles>
// kernel: kernel.4.cloned.1.call-start
scs
__scs_entry_jumppad:
0x0: {  	(pc) =	sbr.rel $0x88, $3  }
0x1: {  	(tag) =	ssettag $0x0;
	lr =	simm.s32 $0x1  }
0x2: {  	[smem:$0x3F9E] =	sst lr;
	_ =	strace $0xD0000000  }
0x3: {  	_ = 	snop  }
0x4: {  	_ = 	snop  }
0x5: {  	_ = 	snop  }
0x6: {  	_ = 	snop  }
0x7: {  	_ = 	snop  }
__scs_overlays_trampoline_lowered:
0x8: {  	[smem:$0x3FAD] =	sst s0  }
0x9: {  	[smem:$0x3FAE] =	sst s1  }
0xa: {  	[smem:$0x3FAF] =	sst s2  }
0xb: {  	[smem:$0x3FB0] =	sst s3  }
0xc: {  	[smem:$0x3FB1] =	sst s4  }
0xd: {  	[smem:$0x3FB2] =	sst s5  }
0xe: {  	[smem:$0x3FB3] =	sst s6  }
0xf: {  	[smem:$0x3FB4] =	sst s7  }
0x10: {  	[smem:$0x3FB5] =	sst s8  }
0x11: {  	[smem:$0x3FB6] =	sst s9;
	s0 =	simm.s32 @!p0 $0x0  }
0x12: {  	s1 =	sld [smem:$0x3F9C];
	s0 =	simm.s32 @p0 $0x1  }
0x13: {  	[smem:$0x3FB7] =	sst s0;
	s0 =	simm.s32 @!p1 $0x0  }
0x14: {  	s2 =	sld [smem:$0x3F9B];
	s0 =	simm.s32 @p1 $0x1  }
0x15: {  	[smem:$0x3FB8] =	sst s0;
	s0 =	simm.s32 @!p2 $0x0  }
0x16: {  	s3 =	sld [smem:$0x3FDB];
	s0 =	simm.s32 @p2 $0x1  }
0x17: {  	s4 =	simm.s32 $0x1BF5;
	[smem:$0x3FBA] =	sst s0  }
0x18: {  	s0 =	sld [smem:$0x3F9D];
	_ =	swait.ge [sflag:s4], $0x0  }
0x19: {  	s7 =	sld [smem:$0x3F9E]  }
0x1a: {  	s8 =	sadd.s32 $0xFFFFE003, lr  }
0x1b: {  	s9 =	sadd.s32 $0xFFFFFEF7, lr;
	s5 =	simm.s32 $0xFFFFFFFF;
	p2 =	slt.u32 s8, $0xFFFFF086  }
0x1c: {  	p1 =	slt.u32 s9, $0xF7A;
	s5 =	simm.s32 @!p2 $0x0  }
0x1d: {  	s5 =	simm.s32 @p1 $0x1;
	p0 =	seq.s32 s7, s2  }
0x1e: {  	s7 =	smul.u32 @!p0 $0xF7A, s2;
	p2 =	seq.s32 @!p0 s5, $0x0  }
0x1f: {  	s9 =	smul.u32 $0xF7A, s1;
	s8 =	simm.s32 @!p0 $0x1BF5;
	p2 =	por !p2, p0  }
0x20: {  	[sflag:s8] =	ssyncset.s32 @!p0 $0xFFFFF086;
	s6 =	sadd.s32 @!p0 s3, s7;
	s7 =	simm.s32 @!p0 $0x108  }
0x21: {  	s3 =	sadd.s32 s3, s9;
	s6 =	sadd.s32 @!p0 $0x88, s6;
	s7 =	simm.s32 @p2 $0x1082  }
0x22: {  	[simem:s7], [sflag:s8] =	dma.local @!p0 [hbm:s6], $0xF7A  }
0x23: {  	s9 =	sor.u32 $0xD0000000, s2;
	s6 =	simm.s32 $0x108;
	_ =	swait.ge @!p0 [sflag:s8], $0x0  }
0x24: {  	s3 =	sadd.s32 $0x88, s3;
	s6 =	simm.s32 @!p1 $0x1082;
	[sflag:s4] =	ssyncset.s32 $0xFFFFF086  }
0x25: {  	[simem:s6], [sflag:s4] =	dma.local [hbm:s3], $0xF7A  }
0x26: {  	[smem:$0x3F9E] =	sst s1;
	(tag) =	ssettag s2;
	_ =	strace s9  }
0x27: {  	s1 =	sld [smem:$0x3FAE]  }
0x28: {  	s2 =	sld [smem:$0x3FAF]  }
0x29: {  	s4 =	sld [smem:$0x3FB1]  }
0x2a: {  	p0 =	seq.s32 s5, $0x0;
	s5 =	sld [smem:$0x3FB2]  }
0x2b: {  	s6 =	sld [smem:$0x3FB3]  }
0x2c: {  	s7 =	sld [smem:$0x3FB4]  }
0x2d: {  	s3 =	simm.s32 $0x108;
	s8 =	sld [smem:$0x3FB5]  }
0x2e: {  	s3 =	simm.s32 @!p0 $0x1082;
	s9 =	sld [smem:$0x3FB6]  }
0x2f: {  	lr =	sadd.s32 s0, s3;
	s0 =	sld [smem:$0x3FAD]  }
0x30: {  	s3 =	sld [smem:$0x3FB0]  }
0x31: {  	[smem:$0x3FB9] =	sst s10  }
0x32: {  	s10 =	sld [smem:$0x3FB7];
	_ =	sdelay $0x3  }
0x33: {  	p0 =	seq.s32 s10, $0x1;
	s10 =	sld [smem:$0x3FB9];
	_ =	sdelay $0x3  }
0x34: {  	[smem:$0x3FB9] =	sst s10  }
0x35: {  	s10 =	sld [smem:$0x3FB8];
	_ =	sdelay $0x3  }
0x36: {  	p1 =	seq.s32 s10, $0x1;
	s10 =	sld [smem:$0x3FB9];
	_ =	sdelay $0x3  }
0x37: {  	[smem:$0x3FB9] =	sst s10  }
0x38: {  	s10 =	sld [smem:$0x3FBA]  }
0x39: {  	_ = 	snop;
	(pc) =	sbr.ind lr, $3  }
0x3a: {  	_ = 	snop  }
0x3b: {  	_ = 	snop  }
0x3c: {  	p2 =	seq.s32 s10, $0x1;
	s10 =	sld [smem:$0x3FB9]  }
0x3d: {  	_ =	shalt  }
0x3e: {  	_ =	shalt  }
0x3f: {  	_ =	shalt  }
0x40: {  	_ =	shalt  }
0x41: {  	_ =	shalt  }
0x42: {  	_ =	shalt  }
0x43: {  	_ =	shalt  }
0x44: {  	_ =	shalt  }
0x45: {  	_ =	shalt  }
0x46: {  	_ =	shalt  }
0x47: {  	_ =	shalt  }
0x48: {  	_ =	shalt  }
0x49: {  	_ =	shalt  }
0x4a: {  	_ =	shalt  }
0x4b: {  	_ =	shalt  }
0x4c: {  	_ =	shalt  }
0x4d: {  	_ =	shalt  }
0x4e: {  	_ =	shalt  }
0x4f: {  	_ =	shalt  }
0x50: {  	_ =	shalt  }
0x51: {  	_ =	shalt  }
0x52: {  	_ =	shalt  }
0x53: {  	_ =	shalt  }
0x54: {  	_ =	shalt  }
0x55: {  	_ =	shalt  }
0x56: {  	_ =	shalt  }
0x57: {  	_ =	shalt  }
0x58: {  	_ =	shalt  }
0x59: {  	_ =	shalt  }
0x5a: {  	_ =	shalt  }
0x5b: {  	_ =	shalt  }
0x5c: {  	_ =	shalt  }
0x5d: {  	_ =	shalt  }
0x5e: {  	_ =	shalt  }
0x5f: {  	_ =	shalt  }
0x60: {  	_ =	shalt  }
0x61: {  	_ =	shalt  }
0x62: {  	_ =	shalt  }
0x63: {  	_ =	shalt  }
0x64: {  	_ =	shalt  }
0x65: {  	_ =	shalt  }
0x66: {  	_ =	shalt  }
0x67: {  	_ =	shalt  }
0x68: {  	_ =	shalt  }
0x69: {  	_ =	shalt  }
0x6a: {  	_ =	shalt  }
0x6b: {  	_ =	shalt  }
0x6c: {  	_ =	shalt  }
0x6d: {  	_ =	shalt  }
0x6e: {  	_ =	shalt  }
0x6f: {  	_ =	shalt  }
0x70: {  	_ =	shalt  }
0x71: {  	_ =	shalt  }
0x72: {  	_ =	shalt  }
0x73: {  	_ =	shalt  }
0x74: {  	_ =	shalt  }
0x75: {  	_ =	shalt  }
0x76: {  	_ =	shalt  }
0x77: {  	_ =	shalt  }
0x78: {  	_ =	shalt  }
0x79: {  	_ =	shalt  }
0x7a: {  	_ =	shalt  }
0x7b: {  	_ =	shalt  }
0x7c: {  	_ =	shalt  }
0x7d: {  	_ =	shalt  }
0x7e: {  	_ =	shalt  }
0x7f: {  	_ =	shalt  }
0x80: {  	_ =	shalt  }
0x81: {  	_ =	shalt  }
0x82: {  	_ =	shalt  }
0x83: {  	_ =	shalt  }
0x84: {  	_ =	shalt  }
0x85: {  	_ =	shalt  }
0x86: {  	_ =	shalt  }
0x87: {  	_ =	shalt  }
.Lfunc_end0:
.L_simem_size_0:
called_computation_lowered:
.L_overlay_start_0:
0x88: {  	s2 =	sld [smem:$0x3FD9]  }
0x89: {  	s3 =	sld [smem:$0x3FFE];
	_ =	sdelay $0x1  }
0x8a: {  	s1 =	srdreg.scid  }
0x8b: {  	s0 =	sand.u32 $0x1, s1  }
0x8c: {  	s17 =	sshll.u32 s0, $0xA;
	s2 =	sadd.s32 s3, s2  }
0x8d: {  	s2 =	sadd.s32 s2, s17  }
0x8e: {  	[smem:$0x3FC5] =	sst s2  }
0x8f: {  	_ = 	snop  }
0x90: {  	s2 =	sld [smem:$0x3FC7]  }
0x91: {  	s18 =	sld [smem:$0x3FD0];
	(tm) =	ssettm $0x1  }
0x92: {  	s4 =	sld [smem:$0x3FFB];
	_ =	sdelay $0x3  }
0x93: {  	_ =	strace s4  }
0x94: {  	s4 =	sld [smem:$0x3FFC];
	_ =	sdelay $0x3  }
0x95: {  	_ =	strace s4  }
0x96: {  	s4 =	sld [smem:$0x3FFD];
	_ =	sdelay $0x3  }
0x97: {  	_ =	strace s4  }
0x98: {  	_ =	strace $0x8FFFFFFF  }
0x99: {  	s19 =	sld [smem:$0x3FDB];
	_ =	sdelay $0x1  }
0x9a: {  	s5 =	simm.s32 $_scs_section_size  }
0x9b: {  	s6 =	simm.s32 $_size__tile_overlayer_lowered;
	s7 =	simm.s32 $_tile_overlayer_lowered  }
0x9c: {  	s22 =	simm.s32 $0x1BFF;
	s21 =	sshll.u32 s7, $0x1;
	s4 =	sadd.s32 s5, s19  }
0x9d: {  	s8 =	simm.s32 $0x0;
	s20 =	sshll.u32 s6, $0x1;
	s6 =	sadd.s32 s21, s4  }
0x9e: {  	[timem:s8], [sflag:s22] =	dma.local [hbm:s6], s20  }
0x9f: {  	_ =	swait.ge [sflag:s22], s20  }
0xa0: {  	s5 =	ssub.s32 $0x0, s20;
	[sflag:s22] =	ssyncset.done $0x0  }
0xa1: {  	[sflag:s22] =	ssyncadd.s32 s5;
	_ =	sdelay $0x1  }
0xa2: {  	s23 =	simm.s32 $0x1B8B  }
0xa3: {  	_ =	swait.ge [sflag:s23], $0x1  }
0xa4: {  	[sflag:s23] =	ssyncset.done $0x0  }
0xa5: {  	s25 =	simm.s32 $0x1B8E;
	s24 =	sld [smem:$0x3FFE];
	[sflag:s23] =	ssyncadd.s32 $0xFFFFFFFF  }
0xa6: {  	s26 =	simm.s32 $execute0_lowered;
	[smem:$0x3FD2] =	sst s25  }
0xa7: {  	s6 =	sshll.u32 s26, $0x1;
	_ =	strace $0x80000046;
	[dreg:$0x1] =	wrdreg $0xFFFFFFFF  }
0xa8: {  	s28 =	simm.s32 $_size_execute0_lowered;
	s4 =	sadd.s32 s4, s6;
	[dreg:$0x0] =	wrdreg $0x0  }
0xa9: {  	s6 =	sshll.u32 s28, $0x1;
	[dreg:$0x2] =	wrdreg s4  }
0xaa: {  	[dreg:$0x3] =	wrdreg s6  }
0xab: {  	[dreg:$0x4] =	wrdreg $0xC0  }
0xac: {  	_ =	task [dreg:s8], $0x5FFFF  }
0xad: {  	[dreg:$0x1] =	wrdreg $0xFFFFFFFF  }
0xae: {  	[dreg:$0x0] =	wrdreg $0x60  }
0xaf: {  	[dreg:$0x2] =	wrdreg s24  }
0xb0: {  	[dreg:$0x3] =	wrdreg s2  }
0xb1: {  	[dreg:$0x4] =	wrdreg s18  }
0xb2: {  	[dreg:$0x5] =	wrdreg $0xFA00  }
0xb3: {  	[dreg:$0x6] =	wrdreg $0xFB00  }
0xb4: {  	[dreg:$0x7] =	wrdreg $0x9  }
0xb5: {  	_ =	task.clear_ibuf [dreg:s8], $0x8FFFF;
	_ =	strace $0x90000046  }
0xb6: {  	s29 =	simm.s32 $0x9;
	_ =	strace $0x80000048  }
0xb7: {  	_ =	swait.ge [sflag:s29], $0x1  }
0xb8: {  	[sflag:s29] =	ssyncadd.s32 $0xFFFFFFFF  }
0xb9: {  	_ =	strace $0x90000048  }
0xba: {  	_ =	sfence  }
0xbb: {  	s30 =	sld [smem:$0x0];
	_ =	sdelay $0x2  }
0xbc: {  	s31 =	sshll.u32 s1, $0xD;
	s1 =	sshrl.u32 s1, $0x2  }
0xbd: {  	s3 =	sand.u32 $0x4000, s31;
	s1 =	sadd.s32 s1, s30  }
0xbe: {  	s0 =	sor.u32 s3, s0;
	s1 =	sshll.u32 s1, $0x11  }
0xbf: {  	s0 =	sor.u32 s1, s0  }
0xc0: {  	s0 =	sadd.s32 $0x8F2B, s0  }
0xc1: {  	[sflag:s0] =	ssyncadd.remote.s32 $0x1  }
0xc2: {  	_ =	sfence.sel $0xFFFF  }
0xc3: {  	[dreg:$0x0] =	wrdreg $0xFFFFFFFF;
	(pc) =	sbr.abs _section_cstart, $3  }
0xc4: {  	[dreg:$0x1] =	wrdreg $0xFFFFFFFF  }
0xc5: {  	_ =	task.clear_ibuf [dreg:s8], $0x2FFFF;
	_ =	strace $0x9FFFFFFF  }
0xc6: {  	(tm) =	ssettm $0x7FFFFFFF  }
0xc7: {  	_ =	shalt  }
tec
execute0_lowered:
.L_overlay_start_1:
0x0: {  	(tag) =	ssettag $0x1  }
0x1: {  	s5 =	rddreg [dreg:$0x0]  }
0x2: {  	s0 =	rddreg [dreg:$0x1]  }
0x3: {  	s9 =	rddreg [dreg:$0x2]  }
0x4: {  	s1 =	srdreg.scid;
	s2 =	rddreg [dreg:$0x3]  }
0x5: {  	s12 =	stileid.u32;
	s3 =	rddreg [dreg:$0x4];
	s4 =	simm.s32 $0x0  }
0x6: {  	s15 =	simm.s32 $0xD20;
	s6 =	sand.u32 $0x1, s1;
	s1 =	rddreg [dreg:$0x5]  }
0x7: {  	s16 =	simm.s32 $0xE20;
	s17 =	simm.s32 $0xF20;
	[smem:$0x7FF] =	sst s4  }
0x8: {  	s31 =	sshll.u32 s12, $0x4;
	p0 =	sne.s32 s12, $0x0;
	s7 =	sshll.u32 s6, $0x4  }
0x9: {  	_ =	strace $0x80000047;
	s11 =	sshll.u32 s6, $0x1;
	s8 =	sor.u32 s12, s7  }
0xa: {  	s6 =	ssub.s32 $0x2, s6;
	s10 =	sadd.s32 s7, s5;
	s8 =	smul.u32 $0x1A0, s8  }
.Ltmp0:
0xb: {  	s13 =	sadd.s32 s11, s5;
	s30 =	sshrl.u32 s6, $0x1;
	(pc) =	sbr.rel .LBB2_1-.Ltmp0, $4  }
0xc: {  	s7 =	sadd.s32 s31, s3;
	s9 =	sadd.s32 s9, s11;
	s12 =	simm.s32 $0x1  }
0xd: {  	s14 =	ssub.s32 s6, s30;
	s6 =	sadd.s32 s31, s2;
	s8 =	sadd.s32 s8, s5  }
0xe: {  	s11 =	smax.u32 s14, $0x1;
	s14 =	simm.s32 $0xD10;
	s5 =	sadd.s32 $0x1000, s8  }
0xf: {  	v0 =	vimm.f32 $-Inf;
	v1 =	vimm.s32 $0x0;
	s8 =	sadd.s32 $0x4600, s10;
	s10 =	sadd.s32 $0x4400, s13;
	s13 =	simm.s32 $0xD00  }
.LBB2_3:
0x10: {  	s11 =	sadd.s32 $0xFFFFFFFF, s11  }
0x11: {  	p1 =	sne.s32 s11, $0x0  }
.Ltmp1:
0x12: {  	_ = 	snop;
	(pc) =	sbr.rel @!p1 .LBB2_4-.Ltmp1, $1  }
0x13: {  	_ =	sdelay $0x3  }
.LBB2_1:
0x14: {  	[tilespmem:s4], [sflag:$0x1] =	stream.linear.gather [hbm4b:s5+s4], $0xD00, $0x38;
	[tilespmem:$0xFC0] =	vst v63  }
0x15: {  	_ =	swait.ge [sflag:s12], $0xD00  }
0x16: {  	[sflag:s12] =	ssyncset.done $0x0  }
0x17: {  	[sflag:s12] =	ssyncadd.s32 $0xFFFFF300  }
0x18: {  	[tilespmem:$0xD00] =	vst v0  }
0x19: {  	[tilespmem:$0xD10] =	vst v1  }
0x1a: {  	[spmem:s6] =	stream.linear.scatter [tilespmem:s13], [sflag:$0x1], $0x10, $0x38;
	[tilespmem:$0xFC0] =	vst v63  }
0x1b: {  	_ =	swait.ge [sflag:s12], $0x10  }
0x1c: {  	[sflag:s12] =	ssyncset.done $0x0  }
0x1d: {  	[sflag:s12] =	ssyncadd.s32 $0xFFFFFFF0  }
0x1e: {  	[spmem:s7] =	stream.linear.scatter [tilespmem:s14], [sflag:$0x1], $0x10, $0x38;
	[tilespmem:$0xFC0] =	vst v63  }
.Ltmp2:
0x1f: {  	_ =	swait.ge [sflag:s12], $0x10;
	(pc) =	sbr.rel @p0 .LBB2_3-.Ltmp2, $3  }
0x20: {  	[sflag:s12] =	ssyncset.done $0x0  }
0x21: {  	[sflag:s12] =	ssyncadd.s32 $0xFFFFFFF0  }
0x22: {  	[bflag:$0x0] =	sbarrier.arrive $0xFFFF;
	_ =	sdelay $0x1  }
0x23: {  	[tilespmem:s15], [sflag:$0x1] =	stream.linear.gather [spmem:s2], $0x100, $0x38;
	[tilespmem:$0xFC0] =	vst v63  }
0x24: {  	_ =	swait.ge [sflag:s12], $0x100  }
0x25: {  	[sflag:s12] =	ssyncset.done $0x0  }
0x26: {  	[sflag:s12] =	ssyncadd.s32 $0xFFFFFF00  }
0x27: {  	[tilespmem:s16], [sflag:$0x1] =	stream.linear.gather [spmem:s3], $0x100, $0x38;
	[tilespmem:$0xFC0] =	vst v63  }
0x28: {  	_ =	swait.ge [sflag:s12], $0x100  }
0x29: {  	[sflag:s12] =	ssyncset.done $0x0  }
0x2a: {  	[sflag:s12] =	ssyncadd.s32 $0xFFFFFF00  }
0x2b: {  	v2 =	vld [tilespmem:$0xD20]  }
0x2c: {  	v3 =	vld [tilespmem:$0xE20]  }
0x2d: {  	v4 =	vld [tilespmem:$0xD30]  }
0x2e: {  	v5 =	vld [tilespmem:$0xE30];
	_ =	sdelay $0x2  }
0x2f: {  	v6 =	vld [tilespmem:$0xD40]  }
0x30: {  	v7 =	vld [tilespmem:$0xE40]  }
0x31: {  	vm0 =	veq.f32 v4, v2;
	vm1 =	vlt.s32 v5, v3  }
0x32: {  	vm9 =	vgt.f32 v4, v2;
	vm0 =	vmand vm0, vm1  }
0x33: {  	v8 =	vld [tilespmem:$0xD50];
	vm0 =	vmor vm9, vm0  }
0x34: {  	v38 =	vld [tilespmem:$0xE50];
	v2 =	vsel vm0, v4, v2;
	v3 =	vsel vm0, v5, v3  }
0x35: {  	vm10 =	veq.f32 v6, v2;
	vm11 =	vlt.s32 v7, v3  }
0x36: {  	vm12 =	vgt.f32 v6, v2;
	vm0 =	vmand vm10, vm11  }
0x37: {  	v39 =	vld [tilespmem:$0xD60];
	vm0 =	vmor vm12, vm0  }
0x38: {  	v40 =	vld [tilespmem:$0xE60];
	v2 =	vsel vm0, v6, v2;
	v3 =	vsel vm0, v7, v3  }
0x39: {  	vm13 =	veq.f32 v8, v2;
	vm14 =	vlt.s32 v38, v3  }
0x3a: {  	vm15 =	vgt.f32 v8, v2;
	vm0 =	vmand vm13, vm14  }
0x3b: {  	v41 =	vld [tilespmem:$0xD70];
	vm0 =	vmor vm15, vm0  }
0x3c: {  	v42 =	vld [tilespmem:$0xE70];
	v2 =	vsel vm0, v8, v2;
	v3 =	vsel vm0, v38, v3  }
0x3d: {  	vm4 =	veq.f32 v39, v2;
	vm5 =	vlt.s32 v40, v3  }
0x3e: {  	vm6 =	vgt.f32 v39, v2;
	vm0 =	vmand vm4, vm5  }
0x3f: {  	v43 =	vld [tilespmem:$0xD80];
	vm0 =	vmor vm6, vm0  }
0x40: {  	v44 =	vld [tilespmem:$0xE80];
	v2 =	vsel vm0, v39, v2;
	v3 =	vsel vm0, v40, v3  }
0x41: {  	vm7 =	veq.f32 v41, v2;
	vm8 =	vlt.s32 v42, v3  }
0x42: {  	vm9 =	vgt.f32 v41, v2;
	vm0 =	vmand vm7, vm8  }
0x43: {  	v45 =	vld [tilespmem:$0xD90];
	vm0 =	vmor vm9, vm0  }
0x44: {  	v46 =	vld [tilespmem:$0xE90];
	v2 =	vsel vm0, v41, v2;
	v3 =	vsel vm0, v42, v3  }
0x45: {  	vm10 =	veq.f32 v43, v2;
	vm11 =	vlt.s32 v44, v3  }
0x46: {  	vm12 =	vgt.f32 v43, v2;
	vm0 =	vmand vm10, vm11  }
0x47: {  	v47 =	vld [tilespmem:$0xDA0];
	vm0 =	vmor vm12, vm0  }
0x48: {  	v48 =	vld [tilespmem:$0xEA0];
	v2 =	vsel vm0, v43, v2;
	v3 =	vsel vm0, v44, v3  }
0x49: {  	vm13 =	veq.f32 v45, v2;
	vm14 =	vlt.s32 v46, v3  }
0x4a: {  	vm15 =	vgt.f32 v45, v2;
	vm0 =	vmand vm13, vm14  }
0x4b: {  	v49 =	vld [tilespmem:$0xDB0];
	vm0 =	vmor vm15, vm0  }
0x4c: {  	v50 =	vld [tilespmem:$0xEB0];
	v2 =	vsel vm0, v45, v2;
	v3 =	vsel vm0, v46, v3  }
0x4d: {  	vm4 =	veq.f32 v47, v2;
	vm5 =	vlt.s32 v48, v3  }
0x4e: {  	vm6 =	vgt.f32 v47, v2;
	vm0 =	vmand vm4, vm5  }
0x4f: {  	v51 =	vld [tilespmem:$0xDC0];
	vm0 =	vmor vm6, vm0  }
0x50: {  	v52 =	vld [tilespmem:$0xEC0];
	v2 =	vsel vm0, v47, v2;
	v3 =	vsel vm0, v48, v3  }
0x51: {  	vm7 =	veq.f32 v49, v2;
	vm8 =	vlt.s32 v50, v3  }
0x52: {  	vm9 =	vgt.f32 v49, v2;
	vm0 =	vmand vm7, vm8  }
0x53: {  	v53 =	vld [tilespmem:$0xDD0];
	vm0 =	vmor vm9, vm0  }
0x54: {  	v54 =	vld [tilespmem:$0xED0];
	v2 =	vsel vm0, v49, v2;
	v3 =	vsel vm0, v50, v3  }
0x55: {  	vm10 =	veq.f32 v51, v2;
	vm11 =	vlt.s32 v52, v3  }
0x56: {  	vm12 =	vgt.f32 v51, v2;
	vm0 =	vmand vm10, vm11  }
0x57: {  	v55 =	vld [tilespmem:$0xDE0];
	vm0 =	vmor vm12, vm0  }
0x58: {  	v56 =	vld [tilespmem:$0xEE0];
	v2 =	vsel vm0, v51, v2;
	v3 =	vsel vm0, v52, v3  }
0x59: {  	vm13 =	veq.f32 v53, v2;
	vm14 =	vlt.s32 v54, v3  }
0x5a: {  	vm15 =	vgt.f32 v53, v2;
	vm0 =	vmand vm13, vm14  }
0x5b: {  	v57 =	vld [tilespmem:$0xDF0];
	vm0 =	vmor vm15, vm0  }
0x5c: {  	v58 =	vld [tilespmem:$0xEF0];
	v2 =	vsel vm0, v53, v2;
	v3 =	vsel vm0, v54, v3  }
0x5d: {  	vm4 =	veq.f32 v55, v2;
	vm5 =	vlt.s32 v56, v3  }
0x5e: {  	vm6 =	vgt.f32 v55, v2;
	vm0 =	vmand vm4, vm5  }
0x5f: {  	v59 =	vld [tilespmem:$0xE00];
	vm0 =	vmor vm6, vm0  }
0x60: {  	v60 =	vld [tilespmem:$0xF00];
	v2 =	vsel vm0, v55, v2;
	v3 =	vsel vm0, v56, v3  }
0x61: {  	vm7 =	veq.f32 v57, v2;
	vm8 =	vlt.s32 v58, v3  }
0x62: {  	vm9 =	vgt.f32 v57, v2;
	vm0 =	vmand vm7, vm8  }
0x63: {  	v61 =	vld [tilespmem:$0xE10];
	vm0 =	vmor vm9, vm0  }
0x64: {  	v62 =	vld [tilespmem:$0xF10];
	v2 =	vsel vm0, v57, v2;
	v3 =	vsel vm0, v58, v3  }
0x65: {  	vm10 =	veq.f32 v59, v2;
	vm11 =	vlt.s32 v60, v3  }
0x66: {  	vm12 =	vgt.f32 v59, v2;
	vm0 =	vmand vm10, vm11  }
0x67: {  	vm0 =	vmor vm12, vm0  }
0x68: {  	v2 =	vsel vm0, v59, v2;
	v3 =	vsel vm0, v60, v3  }
0x69: {  	vm13 =	veq.f32 v61, v2;
	vm14 =	vlt.s32 v62, v3  }
0x6a: {  	vm2 =	vgt.f32 v61, v2;
	vm0 =	vmand vm13, vm14  }
0x6b: {  	vm0 =	vmor vm2, vm0  }
0x6c: {  	v2 =	vsel vm0, v61, v2  }
0x6d: {  	(xrf0) =	vmax.scan.msk.f32 $0xffff, v2;
	_ =	sdelay $0x5  }
0x6e: {  	v63, _, _ =	vpop (xrf0)  }
0x6f: {  	v5 =	vbroadcast v63, $0xF  }
0x70: {  	v3 =	vsel vm0, v62, v3  }
0x71: {  	vm15 =	veq.f32 v2, v5;
	v2 =	vxor.u32 $0x80000000, v3  }
0x72: {  	v2 =	vnsel vm15, $0xFFFFFFFF, v2  }
0x73: {  	(xrf0) =	vmin.scan.msk.u32 $0xffff, v2;
	_ =	sdelay $0x5  }
0x74: {  	v2, _, _ =	vpop (xrf0)  }
0x75: {  	(v2sf) =	vpush v2, $0xF;
	_ =	sdelay $0xe  }
0x76: {  	s18 =	spop (v2sf)  }
0x77: {  	s19 =	sshll.u32 s18, $0x4  }
0x78: {  	s19 =	sand.u32 $0x1FFFFFF0, s19  }
0x79: {  	s19 =	sadd.s32 s0, s19  }
0x7a: {  	[tilespmem:s17], [sflag:$0x1] =	stream.linear.gather [hbm4b:s19+s4], $0x80, $0x38;
	[tilespmem:$0xFC0] =	vst v63  }
0x7b: {  	_ =	swait.ge [sflag:s12], $0x80  }
0x7c: {  	[sflag:s12] =	ssyncset.done $0x0  }
0x7d: {  	[sflag:s12] =	ssyncadd.s32 $0xFFFFFF80  }
0x7e: {  	[hbm4b:s8+s4] =	stream.linear.scatter [tilespmem:s17], [sflag:$0x1], $0x80, $0x38;
	[tilespmem:$0xFC0] =	vst v63  }
0x7f: {  	_ =	swait.ge [sflag:s12], $0x80  }
0x80: {  	[sflag:s12] =	ssyncset.done $0x0  }
0x81: {  	s18 =	sxor.u32 $0x80000000, s18;
	[sflag:s12] =	ssyncadd.s32 $0xFFFFFF80  }
0x82: {  	v2 =	vmov s18;
	[tilespmem:$0xD00] =	vst v5  }
0x83: {  	[tilespmem:$0xD10] =	vst v2  }
0x84: {  	[hbm4b:s9+s4] =	stream.linear.scatter [tilespmem:s13], [sflag:$0x1], $0x10, $0x38;
	[tilespmem:$0xFC0] =	vst v63  }
0x85: {  	_ =	swait.ge [sflag:s12], $0x10  }
0x86: {  	[sflag:s12] =	ssyncset.done $0x0  }
.Ltmp3:
0x87: {  	[sflag:s12] =	ssyncadd.s32 $0xFFFFFFF0;
	(pc) =	sbr.rel .LBB2_3-.Ltmp3, $4  }
0x88: {  	[hbm4b:s10+s4] =	stream.linear.scatter [tilespmem:s14], [sflag:$0x1], $0x10, $0x38;
	[tilespmem:$0xFC0] =	vst v63  }
0x89: {  	_ =	swait.ge [sflag:s12], $0x10  }
0x8a: {  	[sflag:s12] =	ssyncset.done $0x0  }
0x8b: {  	[sflag:s12] =	ssyncadd.s32 $0xFFFFFFF0  }
.LBB2_4:
0x8c: {  	_ =	sfence.sel $0x180000  }
0x8d: {  	[bflag:$0x0] =	sbarrier.arrive $0xFFFF  }
0x8e: {  	_ =	strace $0x90000047  }
0x8f: {  	s0 =	sadd.s32 @!p0 $0x100000, s1;
	[bflag:$0x2] =	sbarrier.arrive $0xFFFF  }
0x90: {  	[sflag:s0] =	ssyncadd.tile.s32 @!p0 $0x1;
	_ =	shalt  }
.Lfunc_end2:
_tile_overlayer_lowered:
.L_overlay_start_2:
0x91: {  	(tag) =	ssettag $0x2  }
0x92: {  	s0 =	rddreg [dreg:$0x0];
	s2 =	stileid.u32  }
0x93: {  	s1 =	rddreg [dreg:$0x1];
	p0 =	sne.s32 s2, $0x0  }
0x94: {  	s3 =	rddreg [dreg:$0x2];
	[bflag:$0x3] =	sbarrier.arrive $0xFFFF;
	s2 =	simm.s32 @!p0 $0x1C01  }
0x95: {  	[timem:s3], [sflag:s2] =	dma.local @!p0 [hbm:s0], s1  }
0x96: {  	s0 =	simm.s32 @!p0 $0x1  }
0x97: {  	_ =	swait.ge @!p0 [sflag:s0], s1  }
0x98: {  	s1 =	ssub.s32 @!p0 $0x0, s1;
	[sflag:s0] =	ssyncset.done @!p0 $0x0  }
0x99: {  	[sflag:s0] =	ssyncadd.s32 @!p0 s1  }
0x9a: {  	[bflag:$0x3] =	sbarrier.arrive $0xFFFF  }
0x9b: {  	_ =	shalt  }

</sc_bundles>
